<compile_context>
chip_gen: v7x
topology: tpu7x:2x2x1
jax: 0.10.2.dev20260603
libtpu: 0.0.44.dev20260713+nightly
codegen_flags: <defaults>
</compile_context>

<pallas_src>
import functools

import jax
import jax.numpy as jnp
from jax import lax
from jax.experimental import pallas as pl
from jax.experimental.pallas import tpu as pltpu
from jax.experimental.pallas import tpu_sc as plsc

BATCH = 16384
DIM = 128

_info = plsc.get_sparse_core_info()
_NC = _info.num_cores
_NS = _info.num_subcores
_NW = _NC * _NS
_BPW = BATCH // _NW
_CHUNK = 128
_NCH = _BPW // _CHUNK
_NBUF = 2

_mesh = plsc.VectorSubcoreMesh(core_axis_name="c", subcore_axis_name="s")


@functools.partial(
    pl.kernel,
    mesh=_mesh,
    out_type=[
        jax.ShapeDtypeStruct((BATCH, DIM), jnp.float32),
        jax.ShapeDtypeStruct((BATCH, DIM), jnp.float32),
        jax.ShapeDtypeStruct((BATCH,), jnp.int32),
    ],
    scratch_types=(
        [pltpu.VMEM((_BPW,), jnp.int32)]
        + [pltpu.VMEM((_CHUNK, DIM), jnp.float32)] * (2 * _NBUF)
        + [pltpu.VMEM((_BPW,), jnp.int32)]
        + [pltpu.SemaphoreType.DMA] * 5
    ),
)
def _gather3(n_id_hbm, memory_hbm, pos_memory_hbm, last_update_hbm,
             z_hbm, pos_z_hbm, lu_hbm,
             idx_v, *rest):
    buf_m = rest[0:_NBUF]
    buf_p = rest[_NBUF:2 * _NBUF]
    lu_v = rest[2 * _NBUF]
    sem_gm, sem_gp, sem_om, sem_op, sem_lu = rest[2 * _NBUF + 1:]

    wid = lax.axis_index("s") * _NC + lax.axis_index("c")
    base = wid * _BPW

    pltpu.sync_copy(n_id_hbm.at[pl.ds(base, _BPW)], idx_v)

    def idx_slice(ci):
        return idx_v.at[pl.ds(ci * _CHUNK, _CHUNK)]

    g_m = [None] * _NCH
    g_p = [None] * _NCH
    o_m = [None] * _NCH
    o_p = [None] * _NCH
    for ci in range(min(_NBUF, _NCH)):
        g_m[ci] = pltpu.async_copy(
            memory_hbm.at[idx_slice(ci)], buf_m[ci % _NBUF], sem_gm)
        g_p[ci] = pltpu.async_copy(
            pos_memory_hbm.at[idx_slice(ci)], buf_p[ci % _NBUF], sem_gp)

    lu_copies = []
    for ci in range(_NCH):
        lu_copies.append(pltpu.async_copy(
            last_update_hbm.at[idx_slice(ci)],
            lu_v.at[pl.ds(ci * _CHUNK, _CHUNK)], sem_lu))

    for ci in range(_NCH):
        out_rows = pl.ds(base + ci * _CHUNK, _CHUNK)
        g_m[ci].wait()
        o_m[ci] = pltpu.async_copy(buf_m[ci % _NBUF], z_hbm.at[out_rows], sem_om)
        g_p[ci].wait()
        o_p[ci] = pltpu.async_copy(buf_p[ci % _NBUF], pos_z_hbm.at[out_rows], sem_op)
        nxt = ci + _NBUF
        if nxt < _NCH:
            o_m[ci].wait()
            o_m[ci] = None
            g_m[nxt] = pltpu.async_copy(
                memory_hbm.at[idx_slice(nxt)], buf_m[nxt % _NBUF], sem_gm)
            o_p[ci].wait()
            o_p[ci] = None
            g_p[nxt] = pltpu.async_copy(
                pos_memory_hbm.at[idx_slice(nxt)], buf_p[nxt % _NBUF], sem_gp)

    for c in lu_copies:
        c.wait()
    lu_out = pltpu.async_copy(lu_v, lu_hbm.at[pl.ds(base, _BPW)], sem_lu)
    for ci in range(_NCH):
        if o_m[ci] is not None:
            o_m[ci].wait()
        if o_p[ci] is not None:
            o_p[ci].wait()
    lu_out.wait()


def kernel(n_id, memory, pos_memory, last_update):
    z, pos_z, lu = _gather3(n_id, memory, pos_memory, last_update)
    return (z, pos_z, lu)

# --- scband reference (transcript-rebuilt; emitter-appended) ---
"""Pipeline reference for scband-position-passing-tgn-50010599194850 (READ-ONLY COPY).

The authoritative reference and input builder live on the scoring server;
editing this copy changes nothing except your own understanding.
"""

import jax, jax.numpy as jnp
import numpy as np

NUM_NODES = 1000000
MEMORY_DIM = 128
BATCH = 16384

def setup_inputs(seed: int = 0) -> dict:
    key = jax.random.key(seed)
    k1, k2, k3, k4 = jax.random.split(key, 4)
    n_id = jax.random.randint(k1, (BATCH,), 0, NUM_NODES)
    # Learned / stateful buffers of the two TGNMemory modules
    memory = jax.random.normal(k2, (NUM_NODES, MEMORY_DIM), dtype=jnp.float32)
    pos_memory = jax.random.normal(k3, (NUM_NODES, MEMORY_DIM), dtype=jnp.float32)
    last_update = jax.random.randint(k4, (NUM_NODES,), 0, 100000)
    return {"n_id": n_id, "memory": memory, "pos_memory": pos_memory, "last_update": last_update}

def reference(n_id, memory, pos_memory, last_update):
    # PositionPassingTGN.forward(n_id):
    #   z, last_update = self.memory(n_id)      -> row gather from memory table + last_update buffer
    #   pos_z, _       = self.pos_memory(n_id)  -> row gather from positional memory table
    z = jnp.take(memory, n_id, axis=0)
    pos_z = jnp.take(pos_memory, n_id, axis=0)
    lu = jnp.take(last_update, n_id, axis=0)
    return (z, pos_z, lu)

if __name__ == "__main__":
    import jax
    _d = setup_inputs()
    print(jax.jit(kernel)(*tuple(_d.values())))

</pallas_src>

<mosaic_0001>
#map = affine_map<(d0, d1) -> (0)>
#map1 = affine_map<(d0, d1) -> (0, 0)>
module attributes {stable_mosaic.version = 14 : i64} {
  func.func @_gather3(%arg0: i32, %arg1: i32, %arg2: memref<16384xi32, #tpu.memory_space<hbm>>, %arg3: memref<1000000x128xf32, #tpu.memory_space<hbm>>, %arg4: memref<1000000x128xf32, #tpu.memory_space<hbm>>, %arg5: memref<1000000xi32, #tpu.memory_space<hbm>>, %arg6: memref<16384x128xf32, #tpu.memory_space<hbm>>, %arg7: memref<16384x128xf32, #tpu.memory_space<hbm>>, %arg8: memref<16384xi32, #tpu.memory_space<hbm>>, %arg9: memref<512xi32, #tpu.memory_space<vmem>>, %arg10: memref<128x128xf32, #tpu.memory_space<vmem>>, %arg11: memref<128x128xf32, #tpu.memory_space<vmem>>, %arg12: memref<128x128xf32, #tpu.memory_space<vmem>>, %arg13: memref<128x128xf32, #tpu.memory_space<vmem>>, %arg14: memref<512xi32, #tpu.memory_space<vmem>>, %arg15: memref<!tpu.dma_semaphore, #tpu.memory_space<semaphore_mem>>, %arg16: memref<!tpu.dma_semaphore, #tpu.memory_space<semaphore_mem>>, %arg17: memref<!tpu.dma_semaphore, #tpu.memory_space<semaphore_mem>>, %arg18: memref<!tpu.dma_semaphore, #tpu.memory_space<semaphore_mem>>, %arg19: memref<!tpu.dma_semaphore, #tpu.memory_space<semaphore_mem>>) attributes {dimension_semantics = [#tpu.dimension_semantics<core_parallel>, #tpu.dimension_semantics<subcore_parallel>], iteration_bounds = array<i64: 2, 16>, scalar_prefetch = 0 : i64, scratch_operands = 11 : i64, tpu.core_type = #tpu.core_type<sc_vector_subcore>, window_params = [{transform_indices = #map}, {transform_indices = #map1}, {transform_indices = #map1}, {transform_indices = #map}, {transform_indices = #map1}, {transform_indices = #map1}, {transform_indices = #map}]} {
    %mul3A = arith.constant 2 : i32
    %mul3A_0 = arith.muli %arg1, %mul3A : i32
    %add3A = arith.addi %mul3A_0, %arg0 : i32
    %mul3A_1 = arith.constant 512 : i32
    %mul3A_2 = arith.muli %add3A, %mul3A_1 : i32
    "tpu.region"() ({
      %run_scoped3A = tpu.sem_alloc : memref<!tpu.dma_semaphore, #tpu.memory_space<semaphore_mem>>
      %dma_start3A_205 = tpu.memref_slice %arg2[%mul3A_2] : memref<16384xi32, #tpu.memory_space<hbm>> -> memref<512xi32, #tpu.memory_space<hbm>>
      %dma_start3A_206 = tpu.memref_slice %arg2[%mul3A_2] : memref<16384xi32, #tpu.memory_space<hbm>> -> memref<512xi32, #tpu.memory_space<hbm>>
      tpu.enqueue_dma source(%dma_start3A_206 : memref<512xi32, #tpu.memory_space<hbm>>) target(%arg9 : memref<512xi32, #tpu.memory_space<vmem>>) target_semaphore(%run_scoped3A : memref<!tpu.dma_semaphore, #tpu.memory_space<semaphore_mem>>)
      %dma_wait3A_207 = tpu.memref_slice %arg2[%mul3A_2] : memref<16384xi32, #tpu.memory_space<hbm>> -> memref<512xi32, #tpu.memory_space<hbm>>
      %dma_wait3A_208 = tpu.memref_slice %arg2[%mul3A_2] : memref<16384xi32, #tpu.memory_space<hbm>> -> memref<512xi32, #tpu.memory_space<hbm>>
      tpu.wait_dma2 semaphore(%run_scoped3A : memref<!tpu.dma_semaphore, #tpu.memory_space<semaphore_mem>>) src(%dma_wait3A_208 : memref<512xi32, #tpu.memory_space<hbm>>) dst(%arg9 : memref<512xi32, #tpu.memory_space<vmem>>)
      tpu.yield
    }) : () -> ()
    %dma_start3A = arith.constant 0 : i32
    %dma_start3A_3 = tpu.memref_slice %arg9[%dma_start3A] : memref<512xi32, #tpu.memory_space<vmem>> -> memref<128xi32, #tpu.memory_space<vmem>>
    %dma_start3A_4 = arith.constant 0 : i32
    %dma_start3A_5 = arith.constant 0 : i32
    %dma_start3A_6 = tpu.memref_slice %arg3[%dma_start3A_4, %dma_start3A_5] : memref<1000000x128xf32, #tpu.memory_space<hbm>> -> memref<1000000x128xf32, #tpu.memory_space<hbm>>
    tpu.enqueue_indirect_dma source(%dma_start3A_6 : memref<1000000x128xf32, #tpu.memory_space<hbm>>) target(%arg10 : memref<128x128xf32, #tpu.memory_space<vmem>>) offsets(%dma_start3A_3 : memref<128xi32, #tpu.memory_space<vmem>>) semaphore(%arg15 : memref<!tpu.dma_semaphore, #tpu.memory_space<semaphore_mem>>)
    %dma_start3A_7 = arith.constant 0 : i32
    %dma_start3A_8 = tpu.memref_slice %arg9[%dma_start3A_7] : memref<512xi32, #tpu.memory_space<vmem>> -> memref<128xi32, #tpu.memory_space<vmem>>
    %dma_start3A_9 = arith.constant 0 : i32
    %dma_start3A_10 = arith.constant 0 : i32
    %dma_start3A_11 = tpu.memref_slice %arg4[%dma_start3A_9, %dma_start3A_10] : memref<1000000x128xf32, #tpu.memory_space<hbm>> -> memref<1000000x128xf32, #tpu.memory_space<hbm>>
    tpu.enqueue_indirect_dma source(%dma_start3A_11 : memref<1000000x128xf32, #tpu.memory_space<hbm>>) target(%arg12 : memref<128x128xf32, #tpu.memory_space<vmem>>) offsets(%dma_start3A_8 : memref<128xi32, #tpu.memory_space<vmem>>) semaphore(%arg16 : memref<!tpu.dma_semaphore, #tpu.memory_space<semaphore_mem>>)
    %dma_start3A_12 = arith.constant 128 : i32
    %dma_start3A_13 = tpu.memref_slice %arg9[%dma_start3A_12] : memref<512xi32, #tpu.memory_space<vmem>> -> memref<128xi32, #tpu.memory_space<vmem>>
    %dma_start3A_14 = arith.constant 0 : i32
    %dma_start3A_15 = arith.constant 0 : i32
    %dma_start3A_16 = tpu.memref_slice %arg3[%dma_start3A_14, %dma_start3A_15] : memref<1000000x128xf32, #tpu.memory_space<hbm>> -> memref<1000000x128xf32, #tpu.memory_space<hbm>>
    tpu.enqueue_indirect_dma source(%dma_start3A_16 : memref<1000000x128xf32, #tpu.memory_space<hbm>>) target(%arg11 : memref<128x128xf32, #tpu.memory_space<vmem>>) offsets(%dma_start3A_13 : memref<128xi32, #tpu.memory_space<vmem>>) semaphore(%arg15 : memref<!tpu.dma_semaphore, #tpu.memory_space<semaphore_mem>>)
    %dma_start3A_17 = arith.constant 128 : i32
    %dma_start3A_18 = tpu.memref_slice %arg9[%dma_start3A_17] : memref<512xi32, #tpu.memory_space<vmem>> -> memref<128xi32, #tpu.memory_space<vmem>>
    %dma_start3A_19 = arith.constant 0 : i32
    %dma_start3A_20 = arith.constant 0 : i32
    %dma_start3A_21 = tpu.memref_slice %arg4[%dma_start3A_19, %dma_start3A_20] : memref<1000000x128xf32, #tpu.memory_space<hbm>> -> memref<1000000x128xf32, #tpu.memory_space<hbm>>
    tpu.enqueue_indirect_dma source(%dma_start3A_21 : memref<1000000x128xf32, #tpu.memory_space<hbm>>) target(%arg13 : memref<128x128xf32, #tpu.memory_space<vmem>>) offsets(%dma_start3A_18 : memref<128xi32, #tpu.memory_space<vmem>>) semaphore(%arg16 : memref<!tpu.dma_semaphore, #tpu.memory_space<semaphore_mem>>)
    %dma_start3A_22 = arith.constant 0 : i32
    %dma_start3A_23 = tpu.memref_slice %arg14[%dma_start3A_22] : memref<512xi32, #tpu.memory_space<vmem>> -> memref<128xi32, #tpu.memory_space<vmem>>
    %dma_start3A_24 = arith.constant 0 : i32
    %dma_start3A_25 = tpu.memref_slice %arg9[%dma_start3A_24] : memref<512xi32, #tpu.memory_space<vmem>> -> memref<128xi32, #tpu.memory_space<vmem>>
    %dma_start3A_26 = arith.constant 0 : i32
    %dma_start3A_27 = tpu.memref_slice %arg5[%dma_start3A_26] : memref<1000000xi32, #tpu.memory_space<hbm>> -> memref<1000000xi32, #tpu.memory_space<hbm>>
    tpu.enqueue_indirect_dma source(%dma_start3A_27 : memref<1000000xi32, #tpu.memory_space<hbm>>) target(%dma_start3A_23 : memref<128xi32, #tpu.memory_space<vmem>>) offsets(%dma_start3A_25 : memref<128xi32, #tpu.memory_space<vmem>>) semaphore(%arg19 : memref<!tpu.dma_semaphore, #tpu.memory_space<semaphore_mem>>)
    %dma_start3A_28 = arith.constant 128 : i32
    %dma_start3A_29 = tpu.memref_slice %arg14[%dma_start3A_28] : memref<512xi32, #tpu.memory_space<vmem>> -> memref<128xi32, #tpu.memory_space<vmem>>
    %dma_start3A_30 = arith.constant 128 : i32
    %dma_start3A_31 = tpu.memref_slice %arg9[%dma_start3A_30] : memref<512xi32, #tpu.memory_space<vmem>> -> memref<128xi32, #tpu.memory_space<vmem>>
    %dma_start3A_32 = arith.constant 0 : i32
    %dma_start3A_33 = tpu.memref_slice %arg5[%dma_start3A_32] : memref<1000000xi32, #tpu.memory_space<hbm>> -> memref<1000000xi32, #tpu.memory_space<hbm>>
    tpu.enqueue_indirect_dma source(%dma_start3A_33 : memref<1000000xi32, #tpu.memory_space<hbm>>) target(%dma_start3A_29 : memref<128xi32, #tpu.memory_space<vmem>>) offsets(%dma_start3A_31 : memref<128xi32, #tpu.memory_space<vmem>>) semaphore(%arg19 : memref<!tpu.dma_semaphore, #tpu.memory_space<semaphore_mem>>)
    %dma_start3A_34 = arith.constant 256 : i32
    %dma_start3A_35 = tpu.memref_slice %arg14[%dma_start3A_34] : memref<512xi32, #tpu.memory_space<vmem>> -> memref<128xi32, #tpu.memory_space<vmem>>
    %dma_start3A_36 = arith.constant 256 : i32
    %dma_start3A_37 = tpu.memref_slice %arg9[%dma_start3A_36] : memref<512xi32, #tpu.memory_space<vmem>> -> memref<128xi32, #tpu.memory_space<vmem>>
    %dma_start3A_38 = arith.constant 0 : i32
    %dma_start3A_39 = tpu.memref_slice %arg5[%dma_start3A_38] : memref<1000000xi32, #tpu.memory_space<hbm>> -> memref<1000000xi32, #tpu.memory_space<hbm>>
    tpu.enqueue_indirect_dma source(%dma_start3A_39 : memref<1000000xi32, #tpu.memory_space<hbm>>) target(%dma_start3A_35 : memref<128xi32, #tpu.memory_space<vmem>>) offsets(%dma_start3A_37 : memref<128xi32, #tpu.memory_space<vmem>>) semaphore(%arg19 : memref<!tpu.dma_semaphore, #tpu.memory_space<semaphore_mem>>)
    %dma_start3A_40 = arith.constant 384 : i32
    %dma_start3A_41 = tpu.memref_slice %arg14[%dma_start3A_40] : memref<512xi32, #tpu.memory_space<vmem>> -> memref<128xi32, #tpu.memory_space<vmem>>
    %dma_start3A_42 = arith.constant 384 : i32
    %dma_start3A_43 = tpu.memref_slice %arg9[%dma_start3A_42] : memref<512xi32, #tpu.memory_space<vmem>> -> memref<128xi32, #tpu.memory_space<vmem>>
    %dma_start3A_44 = arith.constant 0 : i32
    %dma_start3A_45 = tpu.memref_slice %arg5[%dma_start3A_44] : memref<1000000xi32, #tpu.memory_space<hbm>> -> memref<1000000xi32, #tpu.memory_space<hbm>>
    tpu.enqueue_indirect_dma source(%dma_start3A_45 : memref<1000000xi32, #tpu.memory_space<hbm>>) target(%dma_start3A_41 : memref<128xi32, #tpu.memory_space<vmem>>) offsets(%dma_start3A_43 : memref<128xi32, #tpu.memory_space<vmem>>) semaphore(%arg19 : memref<!tpu.dma_semaphore, #tpu.memory_space<semaphore_mem>>)
    %add3A_46 = arith.constant 0 : i32
    %add3A_47 = arith.addi %mul3A_2, %add3A_46 : i32
    %dma_wait3A = arith.constant 0 : i32
    %dma_wait3A_48 = tpu.memref_slice %arg9[%dma_wait3A] : memref<512xi32, #tpu.memory_space<vmem>> -> memref<128xi32, #tpu.memory_space<vmem>>
    %dma_wait3A_49 = arith.constant 0 : i32
    %dma_wait3A_50 = arith.constant 0 : i32
    %dma_wait3A_51 = tpu.memref_slice %arg3[%dma_wait3A_49, %dma_wait3A_50] : memref<1000000x128xf32, #tpu.memory_space<hbm>> -> memref<1000000x128xf32, #tpu.memory_space<hbm>>
    tpu.wait_indirect_dma semaphore(%arg15 : memref<!tpu.dma_semaphore, #tpu.memory_space<semaphore_mem>>) src(%dma_wait3A_51 : memref<1000000x128xf32, #tpu.memory_space<hbm>>) dst(%arg10 : memref<128x128xf32, #tpu.memory_space<vmem>>)
    %dma_start3A_52 = arith.constant 0 : i32
    %dma_start3A_53 = tpu.memref_slice %arg6[%add3A_47, %dma_start3A_52] : memref<16384x128xf32, #tpu.memory_space<hbm>> -> memref<128x128xf32, #tpu.memory_space<hbm>>
    %dma_start3A_54 = arith.constant 0 : i32
    %dma_start3A_55 = tpu.memref_slice %arg6[%add3A_47, %dma_start3A_54] : memref<16384x128xf32, #tpu.memory_space<hbm>> -> memref<128x128xf32, #tpu.memory_space<hbm>>
    tpu.enqueue_dma source(%arg10 : memref<128x128xf32, #tpu.memory_space<vmem>>) target(%dma_start3A_55 : memref<128x128xf32, #tpu.memory_space<hbm>>) target_semaphore(%arg17 : memref<!tpu.dma_semaphore, #tpu.memory_space<semaphore_mem>>)
    %dma_wait3A_56 = arith.constant 0 : i32
    %dma_wait3A_57 = tpu.memref_slice %arg9[%dma_wait3A_56] : memref<512xi32, #tpu.memory_space<vmem>> -> memref<128xi32, #tpu.memory_space<vmem>>
    %dma_wait3A_58 = arith.constant 0 : i32
    %dma_wait3A_59 = arith.constant 0 : i32
    %dma_wait3A_60 = tpu.memref_slice %arg4[%dma_wait3A_58, %dma_wait3A_59] : memref<1000000x128xf32, #tpu.memory_space<hbm>> -> memref<1000000x128xf32, #tpu.memory_space<hbm>>
    tpu.wait_indirect_dma semaphore(%arg16 : memref<!tpu.dma_semaphore, #tpu.memory_space<semaphore_mem>>) src(%dma_wait3A_60 : memref<1000000x128xf32, #tpu.memory_space<hbm>>) dst(%arg12 : memref<128x128xf32, #tpu.memory_space<vmem>>)
    %dma_start3A_61 = arith.constant 0 : i32
    %dma_start3A_62 = tpu.memref_slice %arg7[%add3A_47, %dma_start3A_61] : memref<16384x128xf32, #tpu.memory_space<hbm>> -> memref<128x128xf32, #tpu.memory_space<hbm>>
    %dma_start3A_63 = arith.constant 0 : i32
    %dma_start3A_64 = tpu.memref_slice %arg7[%add3A_47, %dma_start3A_63] : memref<16384x128xf32, #tpu.memory_space<hbm>> -> memref<128x128xf32, #tpu.memory_space<hbm>>
    tpu.enqueue_dma source(%arg12 : memref<128x128xf32, #tpu.memory_space<vmem>>) target(%dma_start3A_64 : memref<128x128xf32, #tpu.memory_space<hbm>>) target_semaphore(%arg18 : memref<!tpu.dma_semaphore, #tpu.memory_space<semaphore_mem>>)
    %dma_wait3A_65 = arith.constant 0 : i32
    %dma_wait3A_66 = tpu.memref_slice %arg6[%add3A_47, %dma_wait3A_65] : memref<16384x128xf32, #tpu.memory_space<hbm>> -> memref<128x128xf32, #tpu.memory_space<hbm>>
    %dma_wait3A_67 = arith.constant 0 : i32
    %dma_wait3A_68 = tpu.memref_slice %arg6[%add3A_47, %dma_wait3A_67] : memref<16384x128xf32, #tpu.memory_space<hbm>> -> memref<128x128xf32, #tpu.memory_space<hbm>>
    tpu.wait_dma2 semaphore(%arg17 : memref<!tpu.dma_semaphore, #tpu.memory_space<semaphore_mem>>) src(%arg10 : memref<128x128xf32, #tpu.memory_space<vmem>>) dst(%dma_wait3A_68 : memref<128x128xf32, #tpu.memory_space<hbm>>)
    %dma_start3A_69 = arith.constant 256 : i32
    %dma_start3A_70 = tpu.memref_slice %arg9[%dma_start3A_69] : memref<512xi32, #tpu.memory_space<vmem>> -> memref<128xi32, #tpu.memory_space<vmem>>
    %dma_start3A_71 = arith.constant 0 : i32
    %dma_start3A_72 = arith.constant 0 : i32
    %dma_start3A_73 = tpu.memref_slice %arg3[%dma_start3A_71, %dma_start3A_72] : memref<1000000x128xf32, #tpu.memory_space<hbm>> -> memref<1000000x128xf32, #tpu.memory_space<hbm>>
    tpu.enqueue_indirect_dma source(%dma_start3A_73 : memref<1000000x128xf32, #tpu.memory_space<hbm>>) target(%arg10 : memref<128x128xf32, #tpu.memory_space<vmem>>) offsets(%dma_start3A_70 : memref<128xi32, #tpu.memory_space<vmem>>) semaphore(%arg15 : memref<!tpu.dma_semaphore, #tpu.memory_space<semaphore_mem>>)
    %dma_wait3A_74 = arith.constant 0 : i32
    %dma_wait3A_75 = tpu.memref_slice %arg7[%add3A_47, %dma_wait3A_74] : memref<16384x128xf32, #tpu.memory_space<hbm>> -> memref<128x128xf32, #tpu.memory_space<hbm>>
    %dma_wait3A_76 = arith.constant 0 : i32
    %dma_wait3A_77 = tpu.memref_slice %arg7[%add3A_47, %dma_wait3A_76] : memref<16384x128xf32, #tpu.memory_space<hbm>> -> memref<128x128xf32, #tpu.memory_space<hbm>>
    tpu.wait_dma2 semaphore(%arg18 : memref<!tpu.dma_semaphore, #tpu.memory_space<semaphore_mem>>) src(%arg12 : memref<128x128xf32, #tpu.memory_space<vmem>>) dst(%dma_wait3A_77 : memref<128x128xf32, #tpu.memory_space<hbm>>)
    %dma_start3A_78 = arith.constant 256 : i32
    %dma_start3A_79 = tpu.memref_slice %arg9[%dma_start3A_78] : memref<512xi32, #tpu.memory_space<vmem>> -> memref<128xi32, #tpu.memory_space<vmem>>
    %dma_start3A_80 = arith.constant 0 : i32
    %dma_start3A_81 = arith.constant 0 : i32
    %dma_start3A_82 = tpu.memref_slice %arg4[%dma_start3A_80, %dma_start3A_81] : memref<1000000x128xf32, #tpu.memory_space<hbm>> -> memref<1000000x128xf32, #tpu.memory_space<hbm>>
    tpu.enqueue_indirect_dma source(%dma_start3A_82 : memref<1000000x128xf32, #tpu.memory_space<hbm>>) target(%arg12 : memref<128x128xf32, #tpu.memory_space<vmem>>) offsets(%dma_start3A_79 : memref<128xi32, #tpu.memory_space<vmem>>) semaphore(%arg16 : memref<!tpu.dma_semaphore, #tpu.memory_space<semaphore_mem>>)
    %add3A_83 = arith.constant 128 : i32
    %add3A_84 = arith.addi %mul3A_2, %add3A_83 : i32
    %dma_wait3A_85 = arith.constant 128 : i32
    %dma_wait3A_86 = tpu.memref_slice %arg9[%dma_wait3A_85] : memref<512xi32, #tpu.memory_space<vmem>> -> memref<128xi32, #tpu.memory_space<vmem>>
    %dma_wait3A_87 = arith.constant 0 : i32
    %dma_wait3A_88 = arith.constant 0 : i32
    %dma_wait3A_89 = tpu.memref_slice %arg3[%dma_wait3A_87, %dma_wait3A_88] : memref<1000000x128xf32, #tpu.memory_space<hbm>> -> memref<1000000x128xf32, #tpu.memory_space<hbm>>
    tpu.wait_indirect_dma semaphore(%arg15 : memref<!tpu.dma_semaphore, #tpu.memory_space<semaphore_mem>>) src(%dma_wait3A_89 : memref<1000000x128xf32, #tpu.memory_space<hbm>>) dst(%arg11 : memref<128x128xf32, #tpu.memory_space<vmem>>)
    %dma_start3A_90 = arith.constant 0 : i32
    %dma_start3A_91 = tpu.memref_slice %arg6[%add3A_84, %dma_start3A_90] : memref<16384x128xf32, #tpu.memory_space<hbm>> -> memref<128x128xf32, #tpu.memory_space<hbm>>
    %dma_start3A_92 = arith.constant 0 : i32
    %dma_start3A_93 = tpu.memref_slice %arg6[%add3A_84, %dma_start3A_92] : memref<16384x128xf32, #tpu.memory_space<hbm>> -> memref<128x128xf32, #tpu.memory_space<hbm>>
    tpu.enqueue_dma source(%arg11 : memref<128x128xf32, #tpu.memory_space<vmem>>) target(%dma_start3A_93 : memref<128x128xf32, #tpu.memory_space<hbm>>) target_semaphore(%arg17 : memref<!tpu.dma_semaphore, #tpu.memory_space<semaphore_mem>>)
    %dma_wait3A_94 = arith.constant 128 : i32
    %dma_wait3A_95 = tpu.memref_slice %arg9[%dma_wait3A_94] : memref<512xi32, #tpu.memory_space<vmem>> -> memref<128xi32, #tpu.memory_space<vmem>>
    %dma_wait3A_96 = arith.constant 0 : i32
    %dma_wait3A_97 = arith.constant 0 : i32
    %dma_wait3A_98 = tpu.memref_slice %arg4[%dma_wait3A_96, %dma_wait3A_97] : memref<1000000x128xf32, #tpu.memory_space<hbm>> -> memref<1000000x128xf32, #tpu.memory_space<hbm>>
    tpu.wait_indirect_dma semaphore(%arg16 : memref<!tpu.dma_semaphore, #tpu.memory_space<semaphore_mem>>) src(%dma_wait3A_98 : memref<1000000x128xf32, #tpu.memory_space<hbm>>) dst(%arg13 : memref<128x128xf32, #tpu.memory_space<vmem>>)
    %dma_start3A_99 = arith.constant 0 : i32
    %dma_start3A_100 = tpu.memref_slice %arg7[%add3A_84, %dma_start3A_99] : memref<16384x128xf32, #tpu.memory_space<hbm>> -> memref<128x128xf32, #tpu.memory_space<hbm>>
    %dma_start3A_101 = arith.constant 0 : i32
    %dma_start3A_102 = tpu.memref_slice %arg7[%add3A_84, %dma_start3A_101] : memref<16384x128xf32, #tpu.memory_space<hbm>> -> memref<128x128xf32, #tpu.memory_space<hbm>>
    tpu.enqueue_dma source(%arg13 : memref<128x128xf32, #tpu.memory_space<vmem>>) target(%dma_start3A_102 : memref<128x128xf32, #tpu.memory_space<hbm>>) target_semaphore(%arg18 : memref<!tpu.dma_semaphore, #tpu.memory_space<semaphore_mem>>)
    %dma_wait3A_103 = arith.constant 0 : i32
    %dma_wait3A_104 = tpu.memref_slice %arg6[%add3A_84, %dma_wait3A_103] : memref<16384x128xf32, #tpu.memory_space<hbm>> -> memref<128x128xf32, #tpu.memory_space<hbm>>
    %dma_wait3A_105 = arith.constant 0 : i32
    %dma_wait3A_106 = tpu.memref_slice %arg6[%add3A_84, %dma_wait3A_105] : memref<16384x128xf32, #tpu.memory_space<hbm>> -> memref<128x128xf32, #tpu.memory_space<hbm>>
    tpu.wait_dma2 semaphore(%arg17 : memref<!tpu.dma_semaphore, #tpu.memory_space<semaphore_mem>>) src(%arg11 : memref<128x128xf32, #tpu.memory_space<vmem>>) dst(%dma_wait3A_106 : memref<128x128xf32, #tpu.memory_space<hbm>>)
    %dma_start3A_107 = arith.constant 384 : i32
    %dma_start3A_108 = tpu.memref_slice %arg9[%dma_start3A_107] : memref<512xi32, #tpu.memory_space<vmem>> -> memref<128xi32, #tpu.memory_space<vmem>>
    %dma_start3A_109 = arith.constant 0 : i32
    %dma_start3A_110 = arith.constant 0 : i32
    %dma_start3A_111 = tpu.memref_slice %arg3[%dma_start3A_109, %dma_start3A_110] : memref<1000000x128xf32, #tpu.memory_space<hbm>> -> memref<1000000x128xf32, #tpu.memory_space<hbm>>
    tpu.enqueue_indirect_dma source(%dma_start3A_111 : memref<1000000x128xf32, #tpu.memory_space<hbm>>) target(%arg11 : memref<128x128xf32, #tpu.memory_space<vmem>>) offsets(%dma_start3A_108 : memref<128xi32, #tpu.memory_space<vmem>>) semaphore(%arg15 : memref<!tpu.dma_semaphore, #tpu.memory_space<semaphore_mem>>)
    %dma_wait3A_112 = arith.constant 0 : i32
    %dma_wait3A_113 = tpu.memref_slice %arg7[%add3A_84, %dma_wait3A_112] : memref<16384x128xf32, #tpu.memory_space<hbm>> -> memref<128x128xf32, #tpu.memory_space<hbm>>
    %dma_wait3A_114 = arith.constant 0 : i32
    %dma_wait3A_115 = tpu.memref_slice %arg7[%add3A_84, %dma_wait3A_114] : memref<16384x128xf32, #tpu.memory_space<hbm>> -> memref<128x128xf32, #tpu.memory_space<hbm>>
    tpu.wait_dma2 semaphore(%arg18 : memref<!tpu.dma_semaphore, #tpu.memory_space<semaphore_mem>>) src(%arg13 : memref<128x128xf32, #tpu.memory_space<vmem>>) dst(%dma_wait3A_115 : memref<128x128xf32, #tpu.memory_space<hbm>>)
    %dma_start3A_116 = arith.constant 384 : i32
    %dma_start3A_117 = tpu.memref_slice %arg9[%dma_start3A_116] : memref<512xi32, #tpu.memory_space<vmem>> -> memref<128xi32, #tpu.memory_space<vmem>>
    %dma_start3A_118 = arith.constant 0 : i32
    %dma_start3A_119 = arith.constant 0 : i32
    %dma_start3A_120 = tpu.memref_slice %arg4[%dma_start3A_118, %dma_start3A_119] : memref<1000000x128xf32, #tpu.memory_space<hbm>> -> memref<1000000x128xf32, #tpu.memory_space<hbm>>
    tpu.enqueue_indirect_dma source(%dma_start3A_120 : memref<1000000x128xf32, #tpu.memory_space<hbm>>) target(%arg13 : memref<128x128xf32, #tpu.memory_space<vmem>>) offsets(%dma_start3A_117 : memref<128xi32, #tpu.memory_space<vmem>>) semaphore(%arg16 : memref<!tpu.dma_semaphore, #tpu.memory_space<semaphore_mem>>)
    %add3A_121 = arith.constant 256 : i32
    %add3A_122 = arith.addi %mul3A_2, %add3A_121 : i32
    %dma_wait3A_123 = arith.constant 256 : i32
    %dma_wait3A_124 = tpu.memref_slice %arg9[%dma_wait3A_123] : memref<512xi32, #tpu.memory_space<vmem>> -> memref<128xi32, #tpu.memory_space<vmem>>
    %dma_wait3A_125 = arith.constant 0 : i32
    %dma_wait3A_126 = arith.constant 0 : i32
    %dma_wait3A_127 = tpu.memref_slice %arg3[%dma_wait3A_125, %dma_wait3A_126] : memref<1000000x128xf32, #tpu.memory_space<hbm>> -> memref<1000000x128xf32, #tpu.memory_space<hbm>>
    tpu.wait_indirect_dma semaphore(%arg15 : memref<!tpu.dma_semaphore, #tpu.memory_space<semaphore_mem>>) src(%dma_wait3A_127 : memref<1000000x128xf32, #tpu.memory_space<hbm>>) dst(%arg10 : memref<128x128xf32, #tpu.memory_space<vmem>>)
    %dma_start3A_128 = arith.constant 0 : i32
    %dma_start3A_129 = tpu.memref_slice %arg6[%add3A_122, %dma_start3A_128] : memref<16384x128xf32, #tpu.memory_space<hbm>> -> memref<128x128xf32, #tpu.memory_space<hbm>>
    %dma_start3A_130 = arith.constant 0 : i32
    %dma_start3A_131 = tpu.memref_slice %arg6[%add3A_122, %dma_start3A_130] : memref<16384x128xf32, #tpu.memory_space<hbm>> -> memref<128x128xf32, #tpu.memory_space<hbm>>
    tpu.enqueue_dma source(%arg10 : memref<128x128xf32, #tpu.memory_space<vmem>>) target(%dma_start3A_131 : memref<128x128xf32, #tpu.memory_space<hbm>>) target_semaphore(%arg17 : memref<!tpu.dma_semaphore, #tpu.memory_space<semaphore_mem>>)
    %dma_wait3A_132 = arith.constant 256 : i32
    %dma_wait3A_133 = tpu.memref_slice %arg9[%dma_wait3A_132] : memref<512xi32, #tpu.memory_space<vmem>> -> memref<128xi32, #tpu.memory_space<vmem>>
    %dma_wait3A_134 = arith.constant 0 : i32
    %dma_wait3A_135 = arith.constant 0 : i32
    %dma_wait3A_136 = tpu.memref_slice %arg4[%dma_wait3A_134, %dma_wait3A_135] : memref<1000000x128xf32, #tpu.memory_space<hbm>> -> memref<1000000x128xf32, #tpu.memory_space<hbm>>
    tpu.wait_indirect_dma semaphore(%arg16 : memref<!tpu.dma_semaphore, #tpu.memory_space<semaphore_mem>>) src(%dma_wait3A_136 : memref<1000000x128xf32, #tpu.memory_space<hbm>>) dst(%arg12 : memref<128x128xf32, #tpu.memory_space<vmem>>)
    %dma_start3A_137 = arith.constant 0 : i32
    %dma_start3A_138 = tpu.memref_slice %arg7[%add3A_122, %dma_start3A_137] : memref<16384x128xf32, #tpu.memory_space<hbm>> -> memref<128x128xf32, #tpu.memory_space<hbm>>
    %dma_start3A_139 = arith.constant 0 : i32
    %dma_start3A_140 = tpu.memref_slice %arg7[%add3A_122, %dma_start3A_139] : memref<16384x128xf32, #tpu.memory_space<hbm>> -> memref<128x128xf32, #tpu.memory_space<hbm>>
    tpu.enqueue_dma source(%arg12 : memref<128x128xf32, #tpu.memory_space<vmem>>) target(%dma_start3A_140 : memref<128x128xf32, #tpu.memory_space<hbm>>) target_semaphore(%arg18 : memref<!tpu.dma_semaphore, #tpu.memory_space<semaphore_mem>>)
    %add3A_141 = arith.constant 384 : i32
    %add3A_142 = arith.addi %mul3A_2, %add3A_141 : i32
    %dma_wait3A_143 = arith.constant 384 : i32
    %dma_wait3A_144 = tpu.memref_slice %arg9[%dma_wait3A_143] : memref<512xi32, #tpu.memory_space<vmem>> -> memref<128xi32, #tpu.memory_space<vmem>>
    %dma_wait3A_145 = arith.constant 0 : i32
    %dma_wait3A_146 = arith.constant 0 : i32
    %dma_wait3A_147 = tpu.memref_slice %arg3[%dma_wait3A_145, %dma_wait3A_146] : memref<1000000x128xf32, #tpu.memory_space<hbm>> -> memref<1000000x128xf32, #tpu.memory_space<hbm>>
    tpu.wait_indirect_dma semaphore(%arg15 : memref<!tpu.dma_semaphore, #tpu.memory_space<semaphore_mem>>) src(%dma_wait3A_147 : memref<1000000x128xf32, #tpu.memory_space<hbm>>) dst(%arg11 : memref<128x128xf32, #tpu.memory_space<vmem>>)
    %dma_start3A_148 = arith.constant 0 : i32
    %dma_start3A_149 = tpu.memref_slice %arg6[%add3A_142, %dma_start3A_148] : memref<16384x128xf32, #tpu.memory_space<hbm>> -> memref<128x128xf32, #tpu.memory_space<hbm>>
    %dma_start3A_150 = arith.constant 0 : i32
    %dma_start3A_151 = tpu.memref_slice %arg6[%add3A_142, %dma_start3A_150] : memref<16384x128xf32, #tpu.memory_space<hbm>> -> memref<128x128xf32, #tpu.memory_space<hbm>>
    tpu.enqueue_dma source(%arg11 : memref<128x128xf32, #tpu.memory_space<vmem>>) target(%dma_start3A_151 : memref<128x128xf32, #tpu.memory_space<hbm>>) target_semaphore(%arg17 : memref<!tpu.dma_semaphore, #tpu.memory_space<semaphore_mem>>)
    %dma_wait3A_152 = arith.constant 384 : i32
    %dma_wait3A_153 = tpu.memref_slice %arg9[%dma_wait3A_152] : memref<512xi32, #tpu.memory_space<vmem>> -> memref<128xi32, #tpu.memory_space<vmem>>
    %dma_wait3A_154 = arith.constant 0 : i32
    %dma_wait3A_155 = arith.constant 0 : i32
    %dma_wait3A_156 = tpu.memref_slice %arg4[%dma_wait3A_154, %dma_wait3A_155] : memref<1000000x128xf32, #tpu.memory_space<hbm>> -> memref<1000000x128xf32, #tpu.memory_space<hbm>>
    tpu.wait_indirect_dma semaphore(%arg16 : memref<!tpu.dma_semaphore, #tpu.memory_space<semaphore_mem>>) src(%dma_wait3A_156 : memref<1000000x128xf32, #tpu.memory_space<hbm>>) dst(%arg13 : memref<128x128xf32, #tpu.memory_space<vmem>>)
    %dma_start3A_157 = arith.constant 0 : i32
    %dma_start3A_158 = tpu.memref_slice %arg7[%add3A_142, %dma_start3A_157] : memref<16384x128xf32, #tpu.memory_space<hbm>> -> memref<128x128xf32, #tpu.memory_space<hbm>>
    %dma_start3A_159 = arith.constant 0 : i32
    %dma_start3A_160 = tpu.memref_slice %arg7[%add3A_142, %dma_start3A_159] : memref<16384x128xf32, #tpu.memory_space<hbm>> -> memref<128x128xf32, #tpu.memory_space<hbm>>
    tpu.enqueue_dma source(%arg13 : memref<128x128xf32, #tpu.memory_space<vmem>>) target(%dma_start3A_160 : memref<128x128xf32, #tpu.memory_space<hbm>>) target_semaphore(%arg18 : memref<!tpu.dma_semaphore, #tpu.memory_space<semaphore_mem>>)
    %dma_wait3A_161 = arith.constant 0 : i32
    %dma_wait3A_162 = tpu.memref_slice %arg14[%dma_wait3A_161] : memref<512xi32, #tpu.memory_space<vmem>> -> memref<128xi32, #tpu.memory_space<vmem>>
    %dma_wait3A_163 = arith.constant 0 : i32
    %dma_wait3A_164 = tpu.memref_slice %arg9[%dma_wait3A_163] : memref<512xi32, #tpu.memory_space<vmem>> -> memref<128xi32, #tpu.memory_space<vmem>>
    %dma_wait3A_165 = arith.constant 0 : i32
    %dma_wait3A_166 = tpu.memref_slice %arg5[%dma_wait3A_165] : memref<1000000xi32, #tpu.memory_space<hbm>> -> memref<1000000xi32, #tpu.memory_space<hbm>>
    tpu.wait_indirect_dma semaphore(%arg19 : memref<!tpu.dma_semaphore, #tpu.memory_space<semaphore_mem>>) src(%dma_wait3A_166 : memref<1000000xi32, #tpu.memory_space<hbm>>) dst(%dma_wait3A_162 : memref<128xi32, #tpu.memory_space<vmem>>)
    %dma_wait3A_167 = arith.constant 128 : i32
    %dma_wait3A_168 = tpu.memref_slice %arg14[%dma_wait3A_167] : memref<512xi32, #tpu.memory_space<vmem>> -> memref<128xi32, #tpu.memory_space<vmem>>
    %dma_wait3A_169 = arith.constant 128 : i32
    %dma_wait3A_170 = tpu.memref_slice %arg9[%dma_wait3A_169] : memref<512xi32, #tpu.memory_space<vmem>> -> memref<128xi32, #tpu.memory_space<vmem>>
    %dma_wait3A_171 = arith.constant 0 : i32
    %dma_wait3A_172 = tpu.memref_slice %arg5[%dma_wait3A_171] : memref<1000000xi32, #tpu.memory_space<hbm>> -> memref<1000000xi32, #tpu.memory_space<hbm>>
    tpu.wait_indirect_dma semaphore(%arg19 : memref<!tpu.dma_semaphore, #tpu.memory_space<semaphore_mem>>) src(%dma_wait3A_172 : memref<1000000xi32, #tpu.memory_space<hbm>>) dst(%dma_wait3A_168 : memref<128xi32, #tpu.memory_space<vmem>>)
    %dma_wait3A_173 = arith.constant 256 : i32
    %dma_wait3A_174 = tpu.memref_slice %arg14[%dma_wait3A_173] : memref<512xi32, #tpu.memory_space<vmem>> -> memref<128xi32, #tpu.memory_space<vmem>>
    %dma_wait3A_175 = arith.constant 256 : i32
    %dma_wait3A_176 = tpu.memref_slice %arg9[%dma_wait3A_175] : memref<512xi32, #tpu.memory_space<vmem>> -> memref<128xi32, #tpu.memory_space<vmem>>
    %dma_wait3A_177 = arith.constant 0 : i32
    %dma_wait3A_178 = tpu.memref_slice %arg5[%dma_wait3A_177] : memref<1000000xi32, #tpu.memory_space<hbm>> -> memref<1000000xi32, #tpu.memory_space<hbm>>
    tpu.wait_indirect_dma semaphore(%arg19 : memref<!tpu.dma_semaphore, #tpu.memory_space<semaphore_mem>>) src(%dma_wait3A_178 : memref<1000000xi32, #tpu.memory_space<hbm>>) dst(%dma_wait3A_174 : memref<128xi32, #tpu.memory_space<vmem>>)
    %dma_wait3A_179 = arith.constant 384 : i32
    %dma_wait3A_180 = tpu.memref_slice %arg14[%dma_wait3A_179] : memref<512xi32, #tpu.memory_space<vmem>> -> memref<128xi32, #tpu.memory_space<vmem>>
    %dma_wait3A_181 = arith.constant 384 : i32
    %dma_wait3A_182 = tpu.memref_slice %arg9[%dma_wait3A_181] : memref<512xi32, #tpu.memory_space<vmem>> -> memref<128xi32, #tpu.memory_space<vmem>>
    %dma_wait3A_183 = arith.constant 0 : i32
    %dma_wait3A_184 = tpu.memref_slice %arg5[%dma_wait3A_183] : memref<1000000xi32, #tpu.memory_space<hbm>> -> memref<1000000xi32, #tpu.memory_space<hbm>>
    tpu.wait_indirect_dma semaphore(%arg19 : memref<!tpu.dma_semaphore, #tpu.memory_space<semaphore_mem>>) src(%dma_wait3A_184 : memref<1000000xi32, #tpu.memory_space<hbm>>) dst(%dma_wait3A_180 : memref<128xi32, #tpu.memory_space<vmem>>)
    %dma_start3A_185 = tpu.memref_slice %arg8[%mul3A_2] : memref<16384xi32, #tpu.memory_space<hbm>> -> memref<512xi32, #tpu.memory_space<hbm>>
    %dma_start3A_186 = tpu.memref_slice %arg8[%mul3A_2] : memref<16384xi32, #tpu.memory_space<hbm>> -> memref<512xi32, #tpu.memory_space<hbm>>
    tpu.enqueue_dma source(%arg14 : memref<512xi32, #tpu.memory_space<vmem>>) target(%dma_start3A_186 : memref<512xi32, #tpu.memory_space<hbm>>) target_semaphore(%arg19 : memref<!tpu.dma_semaphore, #tpu.memory_space<semaphore_mem>>)
    %dma_wait3A_187 = arith.constant 0 : i32
    %dma_wait3A_188 = tpu.memref_slice %arg6[%add3A_122, %dma_wait3A_187] : memref<16384x128xf32, #tpu.memory_space<hbm>> -> memref<128x128xf32, #tpu.memory_space<hbm>>
    %dma_wait3A_189 = arith.constant 0 : i32
    %dma_wait3A_190 = tpu.memref_slice %arg6[%add3A_122, %dma_wait3A_189] : memref<16384x128xf32, #tpu.memory_space<hbm>> -> memref<128x128xf32, #tpu.memory_space<hbm>>
    tpu.wait_dma2 semaphore(%arg17 : memref<!tpu.dma_semaphore, #tpu.memory_space<semaphore_mem>>) src(%arg10 : memref<128x128xf32, #tpu.memory_space<vmem>>) dst(%dma_wait3A_190 : memref<128x128xf32, #tpu.memory_space<hbm>>)
    %dma_wait3A_191 = arith.constant 0 : i32
    %dma_wait3A_192 = tpu.memref_slice %arg7[%add3A_122, %dma_wait3A_191] : memref<16384x128xf32, #tpu.memory_space<hbm>> -> memref<128x128xf32, #tpu.memory_space<hbm>>
    %dma_wait3A_193 = arith.constant 0 : i32
    %dma_wait3A_194 = tpu.memref_slice %arg7[%add3A_122, %dma_wait3A_193] : memref<16384x128xf32, #tpu.memory_space<hbm>> -> memref<128x128xf32, #tpu.memory_space<hbm>>
    tpu.wait_dma2 semaphore(%arg18 : memref<!tpu.dma_semaphore, #tpu.memory_space<semaphore_mem>>) src(%arg12 : memref<128x128xf32, #tpu.memory_space<vmem>>) dst(%dma_wait3A_194 : memref<128x128xf32, #tpu.memory_space<hbm>>)
    %dma_wait3A_195 = arith.constant 0 : i32
    %dma_wait3A_196 = tpu.memref_slice %arg6[%add3A_142, %dma_wait3A_195] : memref<16384x128xf32, #tpu.memory_space<hbm>> -> memref<128x128xf32, #tpu.memory_space<hbm>>
    %dma_wait3A_197 = arith.constant 0 : i32
    %dma_wait3A_198 = tpu.memref_slice %arg6[%add3A_142, %dma_wait3A_197] : memref<16384x128xf32, #tpu.memory_space<hbm>> -> memref<128x128xf32, #tpu.memory_space<hbm>>
    tpu.wait_dma2 semaphore(%arg17 : memref<!tpu.dma_semaphore, #tpu.memory_space<semaphore_mem>>) src(%arg11 : memref<128x128xf32, #tpu.memory_space<vmem>>) dst(%dma_wait3A_198 : memref<128x128xf32, #tpu.memory_space<hbm>>)
    %dma_wait3A_199 = arith.constant 0 : i32
    %dma_wait3A_200 = tpu.memref_slice %arg7[%add3A_142, %dma_wait3A_199] : memref<16384x128xf32, #tpu.memory_space<hbm>> -> memref<128x128xf32, #tpu.memory_space<hbm>>
    %dma_wait3A_201 = arith.constant 0 : i32
    %dma_wait3A_202 = tpu.memref_slice %arg7[%add3A_142, %dma_wait3A_201] : memref<16384x128xf32, #tpu.memory_space<hbm>> -> memref<128x128xf32, #tpu.memory_space<hbm>>
    tpu.wait_dma2 semaphore(%arg18 : memref<!tpu.dma_semaphore, #tpu.memory_space<semaphore_mem>>) src(%arg13 : memref<128x128xf32, #tpu.memory_space<vmem>>) dst(%dma_wait3A_202 : memref<128x128xf32, #tpu.memory_space<hbm>>)
    %dma_wait3A_203 = tpu.memref_slice %arg8[%mul3A_2] : memref<16384xi32, #tpu.memory_space<hbm>> -> memref<512xi32, #tpu.memory_space<hbm>>
    %dma_wait3A_204 = tpu.memref_slice %arg8[%mul3A_2] : memref<16384xi32, #tpu.memory_space<hbm>> -> memref<512xi32, #tpu.memory_space<hbm>>
    tpu.wait_dma2 semaphore(%arg19 : memref<!tpu.dma_semaphore, #tpu.memory_space<semaphore_mem>>) src(%arg14 : memref<512xi32, #tpu.memory_space<vmem>>) dst(%dma_wait3A_204 : memref<512xi32, #tpu.memory_space<hbm>>)
    return
  }
}

</mosaic_0001>

<sc_bundles>
// kernel: kernel.3.cloned.1.call-start
scs
__scs_entry_jumppad:
0x0: {  	(pc) =	sbr.rel $0x88, $3  }
0x1: {  	(tag) =	ssettag $0x0;
	lr =	simm.s32 $0x1  }
0x2: {  	[smem:$0x3F9D] =	sst lr;
	_ =	strace $0xD0000000  }
0x3: {  	_ = 	snop  }
0x4: {  	_ = 	snop  }
0x5: {  	_ = 	snop  }
0x6: {  	_ = 	snop  }
0x7: {  	_ = 	snop  }
__scs_overlays_trampoline_lowered:
0x8: {  	[smem:$0x3FAC] =	sst s0  }
0x9: {  	[smem:$0x3FAD] =	sst s1  }
0xa: {  	[smem:$0x3FAE] =	sst s2  }
0xb: {  	[smem:$0x3FAF] =	sst s3  }
0xc: {  	[smem:$0x3FB0] =	sst s4  }
0xd: {  	[smem:$0x3FB1] =	sst s5  }
0xe: {  	[smem:$0x3FB2] =	sst s6  }
0xf: {  	[smem:$0x3FB3] =	sst s7  }
0x10: {  	[smem:$0x3FB4] =	sst s8  }
0x11: {  	[smem:$0x3FB5] =	sst s9;
	s0 =	simm.s32 @!p0 $0x0  }
0x12: {  	s1 =	sld [smem:$0x3F9B];
	s0 =	simm.s32 @p0 $0x1  }
0x13: {  	[smem:$0x3FB6] =	sst s0;
	s0 =	simm.s32 @!p1 $0x0  }
0x14: {  	s2 =	sld [smem:$0x3F9A];
	s0 =	simm.s32 @p1 $0x1  }
0x15: {  	[smem:$0x3FB7] =	sst s0;
	s0 =	simm.s32 @!p2 $0x0  }
0x16: {  	s3 =	sld [smem:$0x3FDB];
	s0 =	simm.s32 @p2 $0x1  }
0x17: {  	s4 =	simm.s32 $0x1BF5;
	[smem:$0x3FB9] =	sst s0  }
0x18: {  	s0 =	sld [smem:$0x3F9C];
	_ =	swait.ge [sflag:s4], $0x0  }
0x19: {  	s7 =	sld [smem:$0x3F9D]  }
0x1a: {  	s8 =	sadd.s32 $0xFFFFE003, lr  }
0x1b: {  	s9 =	sadd.s32 $0xFFFFFEF7, lr;
	s5 =	simm.s32 $0xFFFFFFFF;
	p2 =	slt.u32 s8, $0xFFFFF086  }
0x1c: {  	p1 =	slt.u32 s9, $0xF7A;
	s5 =	simm.s32 @!p2 $0x0  }
0x1d: {  	s5 =	simm.s32 @p1 $0x1;
	p0 =	seq.s32 s7, s2  }
0x1e: {  	s7 =	smul.u32 @!p0 $0xF7A, s2;
	p2 =	seq.s32 @!p0 s5, $0x0  }
0x1f: {  	s9 =	smul.u32 $0xF7A, s1;
	s8 =	simm.s32 @!p0 $0x1BF5;
	p2 =	por !p2, p0  }
0x20: {  	[sflag:s8] =	ssyncset.s32 @!p0 $0xFFFFF086;
	s6 =	sadd.s32 @!p0 s3, s7;
	s7 =	simm.s32 @!p0 $0x108  }
0x21: {  	s3 =	sadd.s32 s3, s9;
	s6 =	sadd.s32 @!p0 $0x88, s6;
	s7 =	simm.s32 @p2 $0x1082  }
0x22: {  	[simem:s7], [sflag:s8] =	dma.local @!p0 [hbm:s6], $0xF7A  }
0x23: {  	s9 =	sor.u32 $0xD0000000, s2;
	s6 =	simm.s32 $0x108;
	_ =	swait.ge @!p0 [sflag:s8], $0x0  }
0x24: {  	s3 =	sadd.s32 $0x88, s3;
	s6 =	simm.s32 @!p1 $0x1082;
	[sflag:s4] =	ssyncset.s32 $0xFFFFF086  }
0x25: {  	[simem:s6], [sflag:s4] =	dma.local [hbm:s3], $0xF7A  }
0x26: {  	[smem:$0x3F9D] =	sst s1;
	(tag) =	ssettag s2;
	_ =	strace s9  }
0x27: {  	s1 =	sld [smem:$0x3FAD]  }
0x28: {  	s2 =	sld [smem:$0x3FAE]  }
0x29: {  	s4 =	sld [smem:$0x3FB0]  }
0x2a: {  	p0 =	seq.s32 s5, $0x0;
	s5 =	sld [smem:$0x3FB1]  }
0x2b: {  	s6 =	sld [smem:$0x3FB2]  }
0x2c: {  	s7 =	sld [smem:$0x3FB3]  }
0x2d: {  	s3 =	simm.s32 $0x108;
	s8 =	sld [smem:$0x3FB4]  }
0x2e: {  	s3 =	simm.s32 @!p0 $0x1082;
	s9 =	sld [smem:$0x3FB5]  }
0x2f: {  	lr =	sadd.s32 s0, s3;
	s0 =	sld [smem:$0x3FAC]  }
0x30: {  	s3 =	sld [smem:$0x3FAF]  }
0x31: {  	[smem:$0x3FB8] =	sst s10  }
0x32: {  	s10 =	sld [smem:$0x3FB6];
	_ =	sdelay $0x3  }
0x33: {  	p0 =	seq.s32 s10, $0x1;
	s10 =	sld [smem:$0x3FB8];
	_ =	sdelay $0x3  }
0x34: {  	[smem:$0x3FB8] =	sst s10  }
0x35: {  	s10 =	sld [smem:$0x3FB7];
	_ =	sdelay $0x3  }
0x36: {  	p1 =	seq.s32 s10, $0x1;
	s10 =	sld [smem:$0x3FB8];
	_ =	sdelay $0x3  }
0x37: {  	[smem:$0x3FB8] =	sst s10  }
0x38: {  	s10 =	sld [smem:$0x3FB9]  }
0x39: {  	_ = 	snop;
	(pc) =	sbr.ind lr, $3  }
0x3a: {  	_ = 	snop  }
0x3b: {  	_ = 	snop  }
0x3c: {  	p2 =	seq.s32 s10, $0x1;
	s10 =	sld [smem:$0x3FB8]  }
0x3d: {  	_ =	shalt  }
0x3e: {  	_ =	shalt  }
0x3f: {  	_ =	shalt  }
0x40: {  	_ =	shalt  }
0x41: {  	_ =	shalt  }
0x42: {  	_ =	shalt  }
0x43: {  	_ =	shalt  }
0x44: {  	_ =	shalt  }
0x45: {  	_ =	shalt  }
0x46: {  	_ =	shalt  }
0x47: {  	_ =	shalt  }
0x48: {  	_ =	shalt  }
0x49: {  	_ =	shalt  }
0x4a: {  	_ =	shalt  }
0x4b: {  	_ =	shalt  }
0x4c: {  	_ =	shalt  }
0x4d: {  	_ =	shalt  }
0x4e: {  	_ =	shalt  }
0x4f: {  	_ =	shalt  }
0x50: {  	_ =	shalt  }
0x51: {  	_ =	shalt  }
0x52: {  	_ =	shalt  }
0x53: {  	_ =	shalt  }
0x54: {  	_ =	shalt  }
0x55: {  	_ =	shalt  }
0x56: {  	_ =	shalt  }
0x57: {  	_ =	shalt  }
0x58: {  	_ =	shalt  }
0x59: {  	_ =	shalt  }
0x5a: {  	_ =	shalt  }
0x5b: {  	_ =	shalt  }
0x5c: {  	_ =	shalt  }
0x5d: {  	_ =	shalt  }
0x5e: {  	_ =	shalt  }
0x5f: {  	_ =	shalt  }
0x60: {  	_ =	shalt  }
0x61: {  	_ =	shalt  }
0x62: {  	_ =	shalt  }
0x63: {  	_ =	shalt  }
0x64: {  	_ =	shalt  }
0x65: {  	_ =	shalt  }
0x66: {  	_ =	shalt  }
0x67: {  	_ =	shalt  }
0x68: {  	_ =	shalt  }
0x69: {  	_ =	shalt  }
0x6a: {  	_ =	shalt  }
0x6b: {  	_ =	shalt  }
0x6c: {  	_ =	shalt  }
0x6d: {  	_ =	shalt  }
0x6e: {  	_ =	shalt  }
0x6f: {  	_ =	shalt  }
0x70: {  	_ =	shalt  }
0x71: {  	_ =	shalt  }
0x72: {  	_ =	shalt  }
0x73: {  	_ =	shalt  }
0x74: {  	_ =	shalt  }
0x75: {  	_ =	shalt  }
0x76: {  	_ =	shalt  }
0x77: {  	_ =	shalt  }
0x78: {  	_ =	shalt  }
0x79: {  	_ =	shalt  }
0x7a: {  	_ =	shalt  }
0x7b: {  	_ =	shalt  }
0x7c: {  	_ =	shalt  }
0x7d: {  	_ =	shalt  }
0x7e: {  	_ =	shalt  }
0x7f: {  	_ =	shalt  }
0x80: {  	_ =	shalt  }
0x81: {  	_ =	shalt  }
0x82: {  	_ =	shalt  }
0x83: {  	_ =	shalt  }
0x84: {  	_ =	shalt  }
0x85: {  	_ =	shalt  }
0x86: {  	_ =	shalt  }
0x87: {  	_ =	shalt  }
.Lfunc_end0:
.L_simem_size_0:
called_computation_lowered:
.L_overlay_start_0:
0x88: {  	s2 =	sld [smem:$0x3FD9]  }
0x89: {  	s3 =	sld [smem:$0x3FFE];
	_ =	sdelay $0x1  }
0x8a: {  	s1 =	srdreg.scid  }
0x8b: {  	s0 =	sand.u32 $0x1, s1  }
0x8c: {  	s15 =	sshll.u32 s0, $0xA;
	s2 =	sadd.s32 s3, s2  }
0x8d: {  	s2 =	sadd.s32 s2, s15  }
0x8e: {  	[smem:$0x3FC4] =	sst s2  }
0x8f: {  	_ = 	snop  }
0x90: {  	s2 =	sld [smem:$0x3FC9]  }
0x91: {  	s16 =	sld [smem:$0x3FD0]  }
0x92: {  	s4 =	sld [smem:$0x3FC8]  }
0x93: {  	s5 =	sld [smem:$0x3FC7]  }
0x94: {  	s7 =	simm.s32 $0xA;
	s8 =	simm.s32 $0x10;
	s6 =	sld [smem:$0x3FC6]  }
0x95: {  	[smem:s8], [sflag:s7] =	dma.local [hbm:s16], $0x1  }
0x96: {  	_ =	swait.eq [sflag:s7], $0x1  }
0x97: {  	s17 =	sld [smem:$0x10];
	[sflag:s7] =	ssyncset.done $0x0  }
0x98: {  	s18 =	sld [smem:$0x11];
	[sflag:s7] =	ssyncadd.s32 $0xFFFFFFFF  }
0x99: {  	s19 =	sld [smem:$0x12];
	(tm) =	ssettm $0x1  }
0x9a: {  	s9 =	sld [smem:$0x3FFB];
	_ =	sdelay $0x3  }
0x9b: {  	_ =	strace s9  }
0x9c: {  	s9 =	sld [smem:$0x3FFC];
	_ =	sdelay $0x3  }
0x9d: {  	_ =	strace s9  }
0x9e: {  	s9 =	sld [smem:$0x3FFD];
	_ =	sdelay $0x3  }
0x9f: {  	_ =	strace s9  }
0xa0: {  	_ =	strace $0x8FFFFFFF  }
0xa1: {  	s20 =	sld [smem:$0x3FDB];
	_ =	sdelay $0x1  }
0xa2: {  	s10 =	simm.s32 $_scs_section_size  }
0xa3: {  	s11 =	simm.s32 $_size__tile_overlayer_lowered;
	s12 =	simm.s32 $_tile_overlayer_lowered  }
0xa4: {  	s23 =	simm.s32 $0x1BFF;
	s22 =	sshll.u32 s12, $0x1;
	s9 =	sadd.s32 s10, s20  }
0xa5: {  	s13 =	simm.s32 $0x0;
	s21 =	sshll.u32 s11, $0x1;
	s11 =	sadd.s32 s22, s9  }
0xa6: {  	[timem:s13], [sflag:s23] =	dma.local [hbm:s11], s21  }
0xa7: {  	_ =	swait.ge [sflag:s23], s21  }
0xa8: {  	s10 =	ssub.s32 $0x0, s21;
	[sflag:s23] =	ssyncset.done $0x0  }
0xa9: {  	[sflag:s23] =	ssyncadd.s32 s10;
	_ =	sdelay $0x1  }
0xaa: {  	s24 =	simm.s32 $0x1B8B  }
0xab: {  	_ =	swait.ge [sflag:s24], $0x1  }
0xac: {  	[sflag:s24] =	ssyncset.done $0x0  }
0xad: {  	s25 =	simm.s32 $0x1B8E;
	[sflag:s24] =	ssyncadd.s32 $0xFFFFFFFF  }
0xae: {  	s26 =	simm.s32 $execute0_lowered;
	[smem:$0x3FD2] =	sst s25  }
0xaf: {  	s10 =	sshll.u32 s26, $0x1;
	_ =	strace $0x80000046;
	[dreg:$0x1] =	wrdreg $0xFFFFFFFF  }
0xb0: {  	s28 =	simm.s32 $_size_execute0_lowered;
	s9 =	sadd.s32 s9, s10;
	[dreg:$0x0] =	wrdreg $0x0  }
0xb1: {  	s10 =	sshll.u32 s28, $0x1;
	[dreg:$0x2] =	wrdreg s9  }
0xb2: {  	[dreg:$0x3] =	wrdreg s10  }
0xb3: {  	[dreg:$0x4] =	wrdreg $0xC0  }
0xb4: {  	_ =	task [dreg:s13], $0x5FFFF  }
0xb5: {  	[dreg:$0x1] =	wrdreg $0xFFFFFFFF  }
0xb6: {  	[dreg:$0x0] =	wrdreg $0x60  }
0xb7: {  	[dreg:$0x2] =	wrdreg s2  }
0xb8: {  	[dreg:$0x3] =	wrdreg s4  }
0xb9: {  	[dreg:$0x4] =	wrdreg s5  }
0xba: {  	[dreg:$0x5] =	wrdreg s6  }
0xbb: {  	[dreg:$0x6] =	wrdreg s17  }
0xbc: {  	[dreg:$0x7] =	wrdreg s18  }
0xbd: {  	[dreg:$0x8] =	wrdreg s19  }
0xbe: {  	[dreg:$0x9] =	wrdreg $0x9  }
0xbf: {  	_ =	task.clear_ibuf [dreg:s13], $0xAFFFF;
	_ =	strace $0x90000046  }
0xc0: {  	s29 =	simm.s32 $0x9;
	_ =	strace $0x80000048  }
0xc1: {  	_ =	swait.ge [sflag:s29], $0x1  }
0xc2: {  	[sflag:s29] =	ssyncadd.s32 $0xFFFFFFFF  }
0xc3: {  	_ =	strace $0x90000048  }
0xc4: {  	_ =	sfence  }
0xc5: {  	s30 =	sld [smem:$0x0];
	_ =	sdelay $0x2  }
0xc6: {  	s31 =	sshll.u32 s1, $0xD;
	s1 =	sshrl.u32 s1, $0x2  }
0xc7: {  	s3 =	sand.u32 $0x4000, s31;
	s1 =	sadd.s32 s1, s30  }
0xc8: {  	s0 =	sor.u32 s3, s0;
	s1 =	sshll.u32 s1, $0x11  }
0xc9: {  	s0 =	sor.u32 s1, s0  }
0xca: {  	s0 =	sadd.s32 $0x8F2B, s0  }
0xcb: {  	[sflag:s0] =	ssyncadd.remote.s32 $0x1  }
0xcc: {  	_ =	sfence.sel $0xFFFF  }
0xcd: {  	[dreg:$0x0] =	wrdreg $0xFFFFFFFF;
	(pc) =	sbr.abs _section_cstart, $3  }
0xce: {  	[dreg:$0x1] =	wrdreg $0xFFFFFFFF  }
0xcf: {  	_ =	task.clear_ibuf [dreg:s13], $0x2FFFF;
	_ =	strace $0x9FFFFFFF  }
0xd0: {  	(tm) =	ssettm $0x7FFFFFFF  }
0xd1: {  	_ =	shalt  }
tec
execute0_lowered:
.L_overlay_start_1:
0x0: {  	(tag) =	ssettag $0x1  }
0x1: {  	s6 =	rddreg [dreg:$0x0]  }
0x2: {  	s1 =	rddreg [dreg:$0x1]  }
0x3: {  	s2 =	rddreg [dreg:$0x2];
	s0 =	srdreg.scid  }
0x4: {  	s3 =	rddreg [dreg:$0x3];
	s5 =	stileid.u32;
	s4 =	sand.u32 $0x1, s0  }
0x5: {  	s28 =	rddreg [dreg:$0x4];
	s24 =	sshll.u32 s5, $0xA;
	s7 =	sshll.u32 s4, $0x9  }
0x6: {  	s29 =	rddreg [dreg:$0x5];
	s7 =	sor.u32 s7, s24  }
0x7: {  	s31 =	rddreg [dreg:$0x6];
	s5 =	simm.s32 $0x0;
	s0 =	sshrl.u32 s7, $0x3  }
0x8: {  	[smem:$0x7FF] =	sst s5;
	s30 =	sshll.u32 s7, $0x4;
	s6 =	sadd.s32 s6, s0  }
0x9: {  	_ =	strace $0x80000047;
	s26 =	sadd.s32 s28, s30;
	[dreg:$0x8] =	wrdreg s6  }
0xa: {  	[dreg:$0x9] =	wrdreg s26  }
0xb: {  	s6 =	simm.s32 $0x6;
	s25 =	rddreg [dreg:$0x8]  }
0xc: {  	[tilespmem:s5], [sflag:$0x6] =	stream.linear.gather [hbm4b:s25+s5], $0x200, $0x38;
	[tilespmem:$0x10400] =	vst v63  }
0xd: {  	_ =	swait.ge [sflag:s6], $0x200  }
0xe: {  	[sflag:s6] =	ssyncset.done $0x0  }
0xf: {  	s8 =	simm.s32 $0x200;
	s7 =	simm.s32 $0x80;
	[sflag:s6] =	ssyncadd.s32 $0xFFFFFE00  }
0x10: {  	[tilespmem:s8], [sflag:$0x1] =	stream.indirect.gather [hbm4b:s1+s7], $0x80, s5, s7, $0xb8;
	[tilespmem:$0x10400] =	vst v63  }
0x11: {  	s9 =	simm.s32 $0x8200  }
0x12: {  	[tilespmem:s9], [sflag:$0x2] =	stream.indirect.gather [hbm4b:s2+s7], $0x80, s5, s7, $0xb8;
	[tilespmem:$0x10400] =	vst v63  }
0x13: {  	s10 =	simm.s32 $0x4200  }
0x14: {  	[tilespmem:s10], [sflag:$0x1] =	stream.indirect.gather [hbm4b:s1+s7], $0x80, s7, s7, $0xb8;
	[tilespmem:$0x10400] =	vst v63  }
0x15: {  	s11 =	simm.s32 $0xC200  }
0x16: {  	[tilespmem:s11], [sflag:$0x2] =	stream.indirect.gather [hbm4b:s2+s7], $0x80, s7, s7, $0xb8;
	[tilespmem:$0x10400] =	vst v63  }
0x17: {  	s12 =	simm.s32 $0x10200  }
0x18: {  	[tilespmem:s12], [sflag:$0x5] =	stream.indirect.gather [hbm4b:s3+s7], $0x1, s5, s7, $0xb8;
	[tilespmem:$0x10400] =	vst v63  }
0x19: {  	s13 =	simm.s32 $0x10280  }
0x1a: {  	[tilespmem:s13], [sflag:$0x5] =	stream.indirect.gather [hbm4b:s3+s7], $0x1, s7, s7, $0xb8;
	[tilespmem:$0x10400] =	vst v63  }
0x1b: {  	s14 =	simm.s32 $0x100;
	s15 =	simm.s32 $0x10300  }
0x1c: {  	[tilespmem:s15], [sflag:$0x5] =	stream.indirect.gather [hbm4b:s3+s7], $0x1, s14, s7, $0xb8;
	[tilespmem:$0x10400] =	vst v63  }
0x1d: {  	s16 =	simm.s32 $0x180;
	s17 =	simm.s32 $0x10380;
	s18 =	simm.s32 $0x1  }
0x1e: {  	[tilespmem:s17], [sflag:$0x5] =	stream.indirect.gather [hbm4b:s3+s7], $0x1, s16, s7, $0xb8;
	[tilespmem:$0x10400] =	vst v63  }
0x1f: {  	_ =	swait.ge [sflag:s18], $0x4000  }
0x20: {  	[sflag:s18] =	ssyncset.done $0x0  }
0x21: {  	s19 =	rddreg [dreg:$0x9];
	[sflag:s18] =	ssyncadd.s32 $0xFFFFC000  }
0x22: {  	[hbm4b:s19+s5] =	stream.linear.scatter [tilespmem:s8], [sflag:$0x3], $0x4000, $0x38;
	[tilespmem:$0x10400] =	vst v63  }
0x23: {  	s19 =	simm.s32 $0x2  }
0x24: {  	_ =	swait.ge [sflag:s19], $0x4000  }
0x25: {  	[sflag:s19] =	ssyncset.done $0x0  }
0x26: {  	s21 =	simm.s32 $0x3;
	s20 =	sadd.s32 s29, s30;
	[sflag:s19] =	ssyncadd.s32 $0xFFFFC000  }
0x27: {  	[hbm4b:s20+s5] =	stream.linear.scatter [tilespmem:s9], [sflag:$0x4], $0x4000, $0x38;
	[tilespmem:$0x10400] =	vst v63  }
0x28: {  	_ =	swait.ge [sflag:s21], $0x4000  }
0x29: {  	[sflag:s21] =	ssyncset.done $0x0  }
0x2a: {  	s22 =	simm.s32 $0x4;
	[sflag:s21] =	ssyncadd.s32 $0xFFFFC000  }
0x2b: {  	[tilespmem:s8], [sflag:$0x1] =	stream.indirect.gather [hbm4b:s1+s7], $0x80, s14, s7, $0xb8;
	[tilespmem:$0x10400] =	vst v63  }
0x2c: {  	_ =	swait.ge [sflag:s22], $0x4000  }
0x2d: {  	[sflag:s22] =	ssyncset.done $0x0  }
0x2e: {  	[sflag:s22] =	ssyncadd.s32 $0xFFFFC000  }
0x2f: {  	[tilespmem:s9], [sflag:$0x2] =	stream.indirect.gather [hbm4b:s2+s7], $0x80, s14, s7, $0xb8;
	[tilespmem:$0x10400] =	vst v63  }
0x30: {  	_ =	swait.ge [sflag:s18], $0x4000  }
0x31: {  	s24 =	sor.u32 $0x800, s30;
	[sflag:s18] =	ssyncset.done $0x0  }
0x32: {  	s23 =	sadd.s32 s28, s24;
	[sflag:s18] =	ssyncadd.s32 $0xFFFFC000  }
0x33: {  	[hbm4b:s23+s5] =	stream.linear.scatter [tilespmem:s10], [sflag:$0x3], $0x4000, $0x38;
	[tilespmem:$0x10400] =	vst v63  }
0x34: {  	_ =	swait.ge [sflag:s19], $0x4000  }
0x35: {  	[sflag:s19] =	ssyncset.done $0x0  }
0x36: {  	s24 =	sadd.s32 s29, s24;
	[sflag:s19] =	ssyncadd.s32 $0xFFFFC000  }
0x37: {  	[hbm4b:s24+s5] =	stream.linear.scatter [tilespmem:s11], [sflag:$0x4], $0x4000, $0x38;
	[tilespmem:$0x10400] =	vst v63  }
0x38: {  	_ =	swait.ge [sflag:s21], $0x4000  }
0x39: {  	[sflag:s21] =	ssyncset.done $0x0  }
0x3a: {  	[sflag:s21] =	ssyncadd.s32 $0xFFFFC000  }
0x3b: {  	[tilespmem:s10], [sflag:$0x1] =	stream.indirect.gather [hbm4b:s1+s7], $0x80, s16, s7, $0xb8;
	[tilespmem:$0x10400] =	vst v63  }
0x3c: {  	_ =	swait.ge [sflag:s22], $0x4000  }
0x3d: {  	[sflag:s22] =	ssyncset.done $0x0  }
0x3e: {  	[sflag:s22] =	ssyncadd.s32 $0xFFFFC000  }
0x3f: {  	[tilespmem:s11], [sflag:$0x2] =	stream.indirect.gather [hbm4b:s2+s7], $0x80, s16, s7, $0xb8;
	[tilespmem:$0x10400] =	vst v63  }
0x40: {  	_ =	swait.ge [sflag:s18], $0x4000  }
0x41: {  	s26 =	sor.u32 $0x1000, s30;
	[sflag:s18] =	ssyncset.done $0x0  }
0x42: {  	s25 =	sadd.s32 s28, s26;
	[sflag:s18] =	ssyncadd.s32 $0xFFFFC000  }
0x43: {  	[hbm4b:s25+s5] =	stream.linear.scatter [tilespmem:s8], [sflag:$0x3], $0x4000, $0x38;
	[tilespmem:$0x10400] =	vst v63  }
0x44: {  	_ =	swait.ge [sflag:s19], $0x4000  }
0x45: {  	[sflag:s19] =	ssyncset.done $0x0  }
0x46: {  	s26 =	sadd.s32 s29, s26;
	[sflag:s19] =	ssyncadd.s32 $0xFFFFC000  }
0x47: {  	[hbm4b:s26+s5] =	stream.linear.scatter [tilespmem:s9], [sflag:$0x4], $0x4000, $0x38;
	[tilespmem:$0x10400] =	vst v63  }
0x48: {  	_ =	swait.ge [sflag:s18], $0x4000  }
0x49: {  	s30 =	sor.u32 $0x1800, s30;
	[sflag:s18] =	ssyncset.done $0x0  }
0x4a: {  	s28 =	sadd.s32 s28, s30;
	[sflag:s18] =	ssyncadd.s32 $0xFFFFC000  }
0x4b: {  	[hbm4b:s28+s5] =	stream.linear.scatter [tilespmem:s10], [sflag:$0x3], $0x4000, $0x38;
	[tilespmem:$0x10400] =	vst v63  }
0x4c: {  	_ =	swait.ge [sflag:s19], $0x4000  }
0x4d: {  	[sflag:s19] =	ssyncset.done $0x0  }
0x4e: {  	s29 =	sadd.s32 s29, s30;
	s30 =	simm.s32 $0x5;
	[sflag:s19] =	ssyncadd.s32 $0xFFFFC000  }
0x4f: {  	[hbm4b:s29+s5] =	stream.linear.scatter [tilespmem:s11], [sflag:$0x4], $0x4000, $0x38;
	[tilespmem:$0x10400] =	vst v63  }
0x50: {  	_ =	swait.ge [sflag:s30], $0x80  }
0x51: {  	[sflag:s30] =	ssyncset.done $0x0  }
0x52: {  	[sflag:s30] =	ssyncadd.s32 $0xFFFFFF80  }
0x53: {  	_ =	swait.ge [sflag:s30], $0x80  }
0x54: {  	[sflag:s30] =	ssyncset.done $0x0  }
0x55: {  	[sflag:s30] =	ssyncadd.s32 $0xFFFFFF80  }
0x56: {  	_ =	swait.ge [sflag:s30], $0x80  }
0x57: {  	[sflag:s30] =	ssyncset.done $0x0  }
0x58: {  	[sflag:s30] =	ssyncadd.s32 $0xFFFFFF80  }
0x59: {  	_ =	swait.ge [sflag:s30], $0x80  }
0x5a: {  	[sflag:s30] =	ssyncset.done $0x0  }
0x5b: {  	s31 =	sadd.s32 s31, s0;
	[sflag:s30] =	ssyncadd.s32 $0xFFFFFF80  }
0x5c: {  	[hbm4b:s31+s5] =	stream.linear.scatter [tilespmem:s12], [sflag:$0x5], $0x200, $0x38;
	[tilespmem:$0x10400] =	vst v63  }
0x5d: {  	_ =	swait.ge [sflag:s21], $0x4000  }
0x5e: {  	[sflag:s21] =	ssyncset.done $0x0  }
0x5f: {  	[sflag:s21] =	ssyncadd.s32 $0xFFFFC000  }
0x60: {  	s0 =	ssub.s32 $0x2, s4;
	_ =	swait.ge [sflag:s22], $0x4000  }
0x61: {  	s4 =	sshrl.u32 s0, $0x1;
	[sflag:s22] =	ssyncset.done $0x0  }
0x62: {  	s0 =	ssub.s32 s0, s4;
	[sflag:s22] =	ssyncadd.s32 $0xFFFFC000  }
0x63: {  	s0 =	smax.u32 s0, $0x1;
	_ =	swait.ge [sflag:s21], $0x4000  }
0x64: {  	p0 =	sne.s32 s0, $0x1;
	[sflag:s21] =	ssyncset.done $0x0  }
.Ltmp0:
0x65: {  	[sflag:s21] =	ssyncadd.s32 $0xFFFFC000;
	(pc) =	sbr.rel @!p0 .LBB2_2-.Ltmp0, $4  }
0x66: {  	_ =	swait.ge [sflag:s22], $0x4000  }
0x67: {  	[sflag:s22] =	ssyncset.done $0x0  }
0x68: {  	[sflag:s22] =	ssyncadd.s32 $0xFFFFC000  }
0x69: {  	s4 =	sadd.s32 $0xFFFFFFFF, s0;
	_ =	swait.ge [sflag:s30], $0x200  }
.LBB2_1:
0x6a: {  	[sflag:s30] =	ssyncset.done $0x0  }
0x6b: {  	s0 =	rddreg [dreg:$0x8];
	[sflag:s30] =	ssyncadd.s32 $0xFFFFFE00  }
0x6c: {  	[tilespmem:s5], [sflag:$0x6] =	stream.linear.gather [hbm4b:s0+s5], $0x200, $0x38;
	[tilespmem:$0x10400] =	vst v63  }
0x6d: {  	_ =	swait.ge [sflag:s6], $0x200  }
0x6e: {  	[sflag:s6] =	ssyncset.done $0x0  }
0x6f: {  	[sflag:s6] =	ssyncadd.s32 $0xFFFFFE00  }
0x70: {  	[tilespmem:s8], [sflag:$0x1] =	stream.indirect.gather [hbm4b:s1+s7], $0x80, s5, s7, $0xb8;
	[tilespmem:$0x10400] =	vst v63  }
0x71: {  	_ = 	snop  }
0x72: {  	[tilespmem:s9], [sflag:$0x2] =	stream.indirect.gather [hbm4b:s2+s7], $0x80, s5, s7, $0xb8;
	[tilespmem:$0x10400] =	vst v63  }
0x73: {  	_ = 	snop  }
0x74: {  	[tilespmem:s10], [sflag:$0x1] =	stream.indirect.gather [hbm4b:s1+s7], $0x80, s7, s7, $0xb8;
	[tilespmem:$0x10400] =	vst v63  }
0x75: {  	_ = 	snop  }
0x76: {  	[tilespmem:s11], [sflag:$0x2] =	stream.indirect.gather [hbm4b:s2+s7], $0x80, s7, s7, $0xb8;
	[tilespmem:$0x10400] =	vst v63  }
0x77: {  	_ = 	snop  }
0x78: {  	[tilespmem:s12], [sflag:$0x5] =	stream.indirect.gather [hbm4b:s3+s7], $0x1, s5, s7, $0xb8;
	[tilespmem:$0x10400] =	vst v63  }
0x79: {  	_ = 	snop  }
0x7a: {  	[tilespmem:s13], [sflag:$0x5] =	stream.indirect.gather [hbm4b:s3+s7], $0x1, s7, s7, $0xb8;
	[tilespmem:$0x10400] =	vst v63  }
0x7b: {  	_ = 	snop  }
0x7c: {  	[tilespmem:s15], [sflag:$0x5] =	stream.indirect.gather [hbm4b:s3+s7], $0x1, s14, s7, $0xb8;
	[tilespmem:$0x10400] =	vst v63  }
0x7d: {  	_ = 	snop  }
0x7e: {  	[tilespmem:s17], [sflag:$0x5] =	stream.indirect.gather [hbm4b:s3+s7], $0x1, s16, s7, $0xb8;
	[tilespmem:$0x10400] =	vst v63  }
0x7f: {  	_ =	swait.ge [sflag:s18], $0x4000  }
0x80: {  	[sflag:s18] =	ssyncset.done $0x0  }
0x81: {  	s0 =	rddreg [dreg:$0x9];
	[sflag:s18] =	ssyncadd.s32 $0xFFFFC000  }
0x82: {  	[hbm4b:s0+s5] =	stream.linear.scatter [tilespmem:s8], [sflag:$0x3], $0x4000, $0x38;
	[tilespmem:$0x10400] =	vst v63  }
0x83: {  	_ =	swait.ge [sflag:s19], $0x4000  }
0x84: {  	[sflag:s19] =	ssyncset.done $0x0  }
0x85: {  	[sflag:s19] =	ssyncadd.s32 $0xFFFFC000  }
0x86: {  	[hbm4b:s20+s5] =	stream.linear.scatter [tilespmem:s9], [sflag:$0x4], $0x4000, $0x38;
	[tilespmem:$0x10400] =	vst v63  }
0x87: {  	_ =	swait.ge [sflag:s21], $0x4000  }
0x88: {  	[sflag:s21] =	ssyncset.done $0x0  }
0x89: {  	[sflag:s21] =	ssyncadd.s32 $0xFFFFC000  }
0x8a: {  	[tilespmem:s8], [sflag:$0x1] =	stream.indirect.gather [hbm4b:s1+s7], $0x80, s14, s7, $0xb8;
	[tilespmem:$0x10400] =	vst v63  }
0x8b: {  	_ =	swait.ge [sflag:s22], $0x4000  }
0x8c: {  	[sflag:s22] =	ssyncset.done $0x0  }
0x8d: {  	[sflag:s22] =	ssyncadd.s32 $0xFFFFC000  }
0x8e: {  	[tilespmem:s9], [sflag:$0x2] =	stream.indirect.gather [hbm4b:s2+s7], $0x80, s14, s7, $0xb8;
	[tilespmem:$0x10400] =	vst v63  }
0x8f: {  	_ =	swait.ge [sflag:s18], $0x4000  }
0x90: {  	[sflag:s18] =	ssyncset.done $0x0  }
0x91: {  	[sflag:s18] =	ssyncadd.s32 $0xFFFFC000  }
0x92: {  	[hbm4b:s23+s5] =	stream.linear.scatter [tilespmem:s10], [sflag:$0x3], $0x4000, $0x38;
	[tilespmem:$0x10400] =	vst v63  }
0x93: {  	_ =	swait.ge [sflag:s19], $0x4000  }
0x94: {  	[sflag:s19] =	ssyncset.done $0x0  }
0x95: {  	[sflag:s19] =	ssyncadd.s32 $0xFFFFC000  }
0x96: {  	[hbm4b:s24+s5] =	stream.linear.scatter [tilespmem:s11], [sflag:$0x4], $0x4000, $0x38;
	[tilespmem:$0x10400] =	vst v63  }
0x97: {  	_ =	swait.ge [sflag:s21], $0x4000  }
0x98: {  	[sflag:s21] =	ssyncset.done $0x0  }
0x99: {  	[sflag:s21] =	ssyncadd.s32 $0xFFFFC000  }
0x9a: {  	[tilespmem:s10], [sflag:$0x1] =	stream.indirect.gather [hbm4b:s1+s7], $0x80, s16, s7, $0xb8;
	[tilespmem:$0x10400] =	vst v63  }
0x9b: {  	_ =	swait.ge [sflag:s22], $0x4000  }
0x9c: {  	[sflag:s22] =	ssyncset.done $0x0  }
0x9d: {  	[sflag:s22] =	ssyncadd.s32 $0xFFFFC000  }
0x9e: {  	[tilespmem:s11], [sflag:$0x2] =	stream.indirect.gather [hbm4b:s2+s7], $0x80, s16, s7, $0xb8;
	[tilespmem:$0x10400] =	vst v63  }
0x9f: {  	_ =	swait.ge [sflag:s18], $0x4000  }
0xa0: {  	[sflag:s18] =	ssyncset.done $0x0  }
0xa1: {  	[sflag:s18] =	ssyncadd.s32 $0xFFFFC000  }
0xa2: {  	[hbm4b:s25+s5] =	stream.linear.scatter [tilespmem:s8], [sflag:$0x3], $0x4000, $0x38;
	[tilespmem:$0x10400] =	vst v63  }
0xa3: {  	_ =	swait.ge [sflag:s19], $0x4000  }
0xa4: {  	[sflag:s19] =	ssyncset.done $0x0  }
0xa5: {  	[sflag:s19] =	ssyncadd.s32 $0xFFFFC000  }
0xa6: {  	[hbm4b:s26+s5] =	stream.linear.scatter [tilespmem:s9], [sflag:$0x4], $0x4000, $0x38;
	[tilespmem:$0x10400] =	vst v63  }
0xa7: {  	_ =	swait.ge [sflag:s18], $0x4000  }
0xa8: {  	[sflag:s18] =	ssyncset.done $0x0  }
0xa9: {  	[sflag:s18] =	ssyncadd.s32 $0xFFFFC000  }
0xaa: {  	[hbm4b:s28+s5] =	stream.linear.scatter [tilespmem:s10], [sflag:$0x3], $0x4000, $0x38;
	[tilespmem:$0x10400] =	vst v63  }
0xab: {  	_ =	swait.ge [sflag:s19], $0x4000  }
0xac: {  	[sflag:s19] =	ssyncset.done $0x0  }
0xad: {  	[sflag:s19] =	ssyncadd.s32 $0xFFFFC000  }
0xae: {  	[hbm4b:s29+s5] =	stream.linear.scatter [tilespmem:s11], [sflag:$0x4], $0x4000, $0x38;
	[tilespmem:$0x10400] =	vst v63  }
0xaf: {  	_ =	swait.ge [sflag:s30], $0x80  }
0xb0: {  	[sflag:s30] =	ssyncset.done $0x0  }
0xb1: {  	[sflag:s30] =	ssyncadd.s32 $0xFFFFFF80  }
0xb2: {  	_ =	swait.ge [sflag:s30], $0x80  }
0xb3: {  	[sflag:s30] =	ssyncset.done $0x0  }
0xb4: {  	[sflag:s30] =	ssyncadd.s32 $0xFFFFFF80  }
0xb5: {  	_ =	swait.ge [sflag:s30], $0x80  }
0xb6: {  	[sflag:s30] =	ssyncset.done $0x0  }
0xb7: {  	[sflag:s30] =	ssyncadd.s32 $0xFFFFFF80  }
0xb8: {  	_ =	swait.ge [sflag:s30], $0x80  }
0xb9: {  	[sflag:s30] =	ssyncset.done $0x0  }
0xba: {  	[sflag:s30] =	ssyncadd.s32 $0xFFFFFF80  }
0xbb: {  	[hbm4b:s31+s5] =	stream.linear.scatter [tilespmem:s12], [sflag:$0x5], $0x200, $0x38;
	[tilespmem:$0x10400] =	vst v63  }
0xbc: {  	_ =	swait.ge [sflag:s21], $0x4000  }
0xbd: {  	[sflag:s21] =	ssyncset.done $0x0  }
0xbe: {  	[sflag:s21] =	ssyncadd.s32 $0xFFFFC000  }
0xbf: {  	_ =	swait.ge [sflag:s22], $0x4000  }
0xc0: {  	[sflag:s22] =	ssyncset.done $0x0  }
0xc1: {  	[sflag:s22] =	ssyncadd.s32 $0xFFFFC000  }
0xc2: {  	_ =	swait.ge [sflag:s21], $0x4000  }
0xc3: {  	p0 =	sne.s32 s4, $0x1;
	[sflag:s21] =	ssyncset.done $0x0  }
.Ltmp1:
0xc4: {  	[sflag:s21] =	ssyncadd.s32 $0xFFFFC000;
	(pc) =	sbr.rel @p0 .LBB2_1-.Ltmp1, $4  }
0xc5: {  	_ =	swait.ge [sflag:s22], $0x4000  }
0xc6: {  	[sflag:s22] =	ssyncset.done $0x0  }
0xc7: {  	[sflag:s22] =	ssyncadd.s32 $0xFFFFC000  }
0xc8: {  	s4 =	sadd.s32 $0xFFFFFFFF, s4;
	_ =	swait.ge [sflag:s30], $0x200  }
.LBB2_2:
0xc9: {  	[sflag:s30] =	ssyncset.done $0x0  }
0xca: {  	[sflag:s30] =	ssyncadd.s32 $0xFFFFFE00  }
0xcb: {  	_ =	sfence.sel $0x180000  }
0xcc: {  	[bflag:$0x0] =	sbarrier.arrive $0xFFFF  }
0xcd: {  	_ =	strace $0x90000047  }
0xce: {  	s0 =	stileid.u32;
	[bflag:$0x2] =	sbarrier.arrive $0xFFFF  }
0xcf: {  	p0 =	sne.s32 s0, $0x0;
	s0 =	rddreg [dreg:$0x7]  }
0xd0: {  	s0 =	sadd.s32 @!p0 $0x100000, s0  }
0xd1: {  	[sflag:s0] =	ssyncadd.tile.s32 @!p0 $0x1;
	_ =	shalt  }
.Lfunc_end2:
_tile_overlayer_lowered:
.L_overlay_start_2:
0xd2: {  	(tag) =	ssettag $0x2  }
0xd3: {  	s0 =	rddreg [dreg:$0x0];
	s2 =	stileid.u32  }
0xd4: {  	s1 =	rddreg [dreg:$0x1];
	p0 =	sne.s32 s2, $0x0  }
0xd5: {  	s3 =	rddreg [dreg:$0x2];
	[bflag:$0x3] =	sbarrier.arrive $0xFFFF;
	s2 =	simm.s32 @!p0 $0x1C06  }
0xd6: {  	[timem:s3], [sflag:s2] =	dma.local @!p0 [hbm:s0], s1  }
0xd7: {  	s0 =	simm.s32 @!p0 $0x6  }
0xd8: {  	_ =	swait.ge @!p0 [sflag:s0], s1  }
0xd9: {  	s1 =	ssub.s32 @!p0 $0x0, s1;
	[sflag:s0] =	ssyncset.done @!p0 $0x0  }
0xda: {  	[sflag:s0] =	ssyncadd.s32 @!p0 s1  }
0xdb: {  	[bflag:$0x3] =	sbarrier.arrive $0xFFFF  }
0xdc: {  	_ =	shalt  }

</sc_bundles>
